<compile_context>
chip_gen: v7x
topology: tpu7x:2x2x1
jax: 0.10.2.dev20260603
libtpu: 0.0.44.dev20260713+nightly
codegen_flags: <defaults>
</compile_context>

<pallas_src>
import functools

import jax
import jax.numpy as jnp
from jax import lax
from jax.experimental import pallas as pl
from jax.experimental.pallas import tpu as pltpu
from jax.experimental.pallas import tpu_sc as plsc

NC = 2
NS = 16
L = 16
NBUF = 3


@functools.lru_cache(maxsize=None)
def _build(M, D, B):
    MC = 4736
    NCH = -(-M // MC)
    NCH += NCH % NC
    KPC = NCH // NC
    RPT = MC // NS
    BPT = B // NS
    G = 64
    GSH = 6
    NG = (BPT + G) // G
    assert BPT * NS == B and BPT % L == 0 and BPT % G == 0
    assert (NCH - 1) * MC >= M - MC
    assert M - MC >= 0 and (M - MC) % 8 == 0

    mesh = plsc.VectorSubcoreMesh(
        core_axis_name="c", subcore_axis_name="s",
        num_cores=NC, num_subcores=NS)

    @functools.partial(
        pl.kernel,
        out_type=jax.ShapeDtypeStruct((M, D), jnp.float32),
        mesh=mesh,
        compiler_params=pltpu.CompilerParams(needs_layout_passes=False),
        scratch_types=(
            [pltpu.VMEM_SHARED((MC + NS, D), jnp.float32)
             for _ in range(NBUF)] +
            [
                pltpu.VMEM((BPT,), jnp.int32),
                pltpu.VMEM((NG, G), jnp.int32),
                pltpu.VMEM((NG, G), jnp.int32),
                pltpu.VMEM((G, D), jnp.float32),
                pltpu.VMEM((L,), jnp.float32),
            ] +
            [pltpu.SemaphoreType.DMA for _ in range(NBUF)] +
            [pltpu.SemaphoreType.DMA for _ in range(NBUF)] +
            [pltpu.SemaphoreType.DMA]
        ),
    )
    def _ker(x_hbm, idx_hbm, src_hbm, alpha_hbm, out_hbm, *scr):
        accs = scr[:NBUF]
        idx_v, selb_v, selr_v, gsrc_v, alpha_v = scr[NBUF:NBUF + 5]
        semls = scr[NBUF + 5:2 * NBUF + 5]
        semws = scr[2 * NBUF + 5:3 * NBUF + 5]
        semg = scr[3 * NBUF + 5]

        c = lax.axis_index("c")
        s = lax.axis_index("s")
        trash = MC + s
        sbase = pl.multiple_of(s * RPT, 8)

        pltpu.sync_copy(idx_hbm.at[pl.ds(pl.multiple_of(s * BPT, 8), BPT)],
                        idx_v)
        pltpu.sync_copy(alpha_hbm, alpha_v)
        av = alpha_v[...]
        noscale = av[0] == jnp.float32(1.0)

        def chunk_lo(k):
            return jnp.minimum((KPC * c + k) * MC, M - MC)

        def tile_base(lo):
            return pl.multiple_of(lo + s * RPT, 8)

        def issue_load(k, p):
            return pltpu.async_copy(
                x_hbm.at[pl.ds(tile_base(chunk_lo(k)), RPT)],
                accs[p].at[pl.ds(sbase, RPT)], semls[p])

        def issue_wb(k, ):
            p = k % NBUF
            lo = chunk_lo(k)
            return pltpu.async_copy(
                accs[p].at[pl.ds(sbase, RPT)],
                out_hbm.at[pl.ds(tile_base(lo), RPT)], semws[p])

        wb_desc = [None] * NBUF
        load_desc = [None] * NBUF
        load_desc[0] = issue_load(0, 0)

        for k in range(0):
            p = k % NBUF
            acc = accs[p]
            lo = chunk_lo(k)
            hi = lo + MC

            zero_v = jnp.zeros((L,), jnp.int32)

            def sel_body(j, cnt):
                v = idx_v[pl.ds(j * L, L)]
                m = (v >= lo) & (v < hi)
                mi = jnp.where(m, jnp.int32(1), jnp.int32(0))
                bsrc = s * BPT + j * L + lax.iota(jnp.int32, L)
                ps = jnp.cumsum(mi)
                pos = cnt + ps - 1
                pg = jnp.right_shift(pos, GSH)
                po = jnp.bitwise_and(pos, G - 1)
                plsc.store_scatter(selb_v, [pg, po], bsrc, mask=m)
                plsc.store_scatter(selr_v, [pg, po], v - lo, mask=m)
                return cnt + jnp.sum(mi)

            cnt = lax.fori_loop(0, BPT // L, sel_body, jnp.int32(0))

            trash_v = jnp.broadcast_to(trash, (L,)).astype(jnp.int32)
            for t in range(G // L):
                pp = cnt + t * L + lax.iota(jnp.int32, L)
                pg = jnp.right_shift(pp, GSH)
                po = jnp.bitwise_and(pp, G - 1)
                pad_b = s * BPT + t * L + lax.iota(jnp.int32, L)
                plsc.store_scatter(selb_v, [pg, po], pad_b)
                plsc.store_scatter(selr_v, [pg, po], trash_v)
            ng = (cnt + G - 1) // G

            gd = pltpu.async_copy(src_hbm.at[selb_v.at[0]], gsrc_v, semg)

            load_desc[p].wait()

            if k + 1 < KPC:
                q = (k + 1) % NBUF
                if wb_desc[q] is not None:
                    wb_desc[q].wait()
                load_desc[q] = issue_load(k + 1, q)

            plsc.subcore_barrier()

            if k > 0:
                wb_desc[(k - 1) % NBUF] = issue_wb(k - 1)
            gd.wait()

            def proc_body(g, _):
                @pl.when(g > 0)
                def _():
                    pltpu.sync_copy(src_hbm.at[selb_v.at[g]], gsrc_v)

                @pl.when(jnp.logical_not(noscale))
                def _():
                    def scale_row(r, _):
                        for cb in range(D // L):
                            sl = pl.ds(cb * L, L)
                            gsrc_v[r, sl] = gsrc_v[r, sl] * av
                        return 0
                    lax.fori_loop(0, G, scale_row, 0)

                pltpu.sync_copy(gsrc_v, acc.at[selr_v.at[g]], add=True)
                return 0

            lax.fori_loop(0, ng, proc_body, 0)

        load_desc[0][0].wait() if isinstance(load_desc[0], tuple) else load_desc[0].wait()

    return _ker


def kernel(x, dim, index, source, alpha, out):
    M, D = x.shape
    B = index.shape[0]
    alpha_arr = jnp.full((L,), alpha, jnp.float32)
    return _build(M, D, B)(x, index.astype(jnp.int32), source, alpha_arr)

# --- scband reference (transcript-rebuilt; emitter-appended) ---
"""Pipeline reference for scband-torch-ops-aten-index-add-out-module-66236985639490 (READ-ONLY COPY).

The authoritative reference and input builder live on the scoring server;
editing this copy changes nothing except your own understanding.
"""

import jax, jax.numpy as jnp
import numpy as np

M, D, B = 100000, 128, 16384


def setup_inputs(seed: int = 0) -> dict:
    key = jax.random.key(seed)
    k1, k2, k3 = jax.random.split(key, 3)
    x = jax.random.normal(k1, (M, D), dtype=jnp.float32)
    index = jax.random.randint(k2, (B,), 0, M, dtype=jnp.int32)
    source = jax.random.normal(k3, (B, D), dtype=jnp.float32)
    out = jnp.zeros((M, D), dtype=jnp.float32)
    return {"x": x, "dim": 0, "index": index, "source": source, "alpha": 1, "out": out}


def reference(x, dim, index, source, alpha, out):
    # torch.ops.aten.index_add.out(x, dim, index, source, alpha, out=out):
    # out = x, then out[index] += alpha * source along `dim` (dim == 0 here).
    # Functional JAX equivalent: scatter-add into a copy of x.
    result = x.at[index].add(alpha * source)
    return result

if __name__ == "__main__":
    import jax
    _d = setup_inputs()
    print(jax.jit(kernel)(*tuple(_d.values())))

</pallas_src>

<mosaic_0001>
#map = affine_map<(d0, d1) -> (0, 0)>
#map1 = affine_map<(d0, d1) -> (0)>
module attributes {stable_mosaic.version = 14 : i64} {
  func.func @_ker(%arg0: i32, %arg1: i32, %arg2: memref<100000x128xf32, #tpu.memory_space<hbm>>, %arg3: memref<16384xi32, #tpu.memory_space<hbm>>, %arg4: memref<16384x128xf32, #tpu.memory_space<hbm>>, %arg5: memref<16xf32, #tpu.memory_space<hbm>>, %arg6: memref<100000x128xf32, #tpu.memory_space<hbm>>, %arg7: memref<4752x128xf32, #tpu.memory_space<vmem_shared>>, %arg8: memref<4752x128xf32, #tpu.memory_space<vmem_shared>>, %arg9: memref<4752x128xf32, #tpu.memory_space<vmem_shared>>, %arg10: memref<1024xi32, #tpu.memory_space<vmem>>, %arg11: memref<17x64xi32, #tpu.memory_space<vmem>>, %arg12: memref<17x64xi32, #tpu.memory_space<vmem>>, %arg13: memref<64x128xf32, #tpu.memory_space<vmem>>, %arg14: memref<16xf32, #tpu.memory_space<vmem>>, %arg15: memref<!tpu.dma_semaphore, #tpu.memory_space<semaphore_mem>>, %arg16: memref<!tpu.dma_semaphore, #tpu.memory_space<semaphore_mem>>, %arg17: memref<!tpu.dma_semaphore, #tpu.memory_space<semaphore_mem>>, %arg18: memref<!tpu.dma_semaphore, #tpu.memory_space<semaphore_mem>>, %arg19: memref<!tpu.dma_semaphore, #tpu.memory_space<semaphore_mem>>, %arg20: memref<!tpu.dma_semaphore, #tpu.memory_space<semaphore_mem>>, %arg21: memref<!tpu.dma_semaphore, #tpu.memory_space<semaphore_mem>>) attributes {dimension_semantics = [#tpu.dimension_semantics<core_parallel>, #tpu.dimension_semantics<subcore_parallel>], iteration_bounds = array<i64: 2, 16>, scalar_prefetch = 0 : i64, scratch_operands = 15 : i64, tpu.core_type = #tpu.core_type<sc_vector_subcore>, window_params = [{transform_indices = #map}, {transform_indices = #map1}, {transform_indices = #map}, {transform_indices = #map1}, {transform_indices = #map}]} {
    %add3A = arith.constant 4736 : i32
    %add3A_0 = arith.addi %add3A, %arg1 : i32
    %mul3A = arith.constant 296 : i32
    %mul3A_1 = arith.muli %arg1, %mul3A : i32
    %multiple_of3A = tpu.assume_multiple %mul3A_1, 8 : i32
    %mul3A_2 = arith.constant 1024 : i32
    %mul3A_3 = arith.muli %arg1, %mul3A_2 : i32
    %multiple_of3A_4 = tpu.assume_multiple %mul3A_3, 8 : i32
    "tpu.region"() ({
      %run_scoped3A = tpu.sem_alloc : memref<!tpu.dma_semaphore, #tpu.memory_space<semaphore_mem>>
      %dma_start3A_24 = tpu.memref_slice %arg3[%multiple_of3A_4] : memref<16384xi32, #tpu.memory_space<hbm>> -> memref<1024xi32, #tpu.memory_space<hbm>>
      %dma_start3A_25 = tpu.memref_slice %arg3[%multiple_of3A_4] : memref<16384xi32, #tpu.memory_space<hbm>> -> memref<1024xi32, #tpu.memory_space<hbm>>
      tpu.enqueue_dma source(%dma_start3A_25 : memref<1024xi32, #tpu.memory_space<hbm>>) target(%arg10 : memref<1024xi32, #tpu.memory_space<vmem>>) target_semaphore(%run_scoped3A : memref<!tpu.dma_semaphore, #tpu.memory_space<semaphore_mem>>)
      %dma_wait3A_26 = tpu.memref_slice %arg3[%multiple_of3A_4] : memref<16384xi32, #tpu.memory_space<hbm>> -> memref<1024xi32, #tpu.memory_space<hbm>>
      %dma_wait3A_27 = tpu.memref_slice %arg3[%multiple_of3A_4] : memref<16384xi32, #tpu.memory_space<hbm>> -> memref<1024xi32, #tpu.memory_space<hbm>>
      tpu.wait_dma2 semaphore(%run_scoped3A : memref<!tpu.dma_semaphore, #tpu.memory_space<semaphore_mem>>) src(%dma_wait3A_27 : memref<1024xi32, #tpu.memory_space<hbm>>) dst(%arg10 : memref<1024xi32, #tpu.memory_space<vmem>>)
      tpu.yield
    }) : () -> ()
    "tpu.region"() ({
      %run_scoped3A = tpu.sem_alloc : memref<!tpu.dma_semaphore, #tpu.memory_space<semaphore_mem>>
      tpu.enqueue_dma source(%arg5 : memref<16xf32, #tpu.memory_space<hbm>>) target(%arg14 : memref<16xf32, #tpu.memory_space<vmem>>) target_semaphore(%run_scoped3A : memref<!tpu.dma_semaphore, #tpu.memory_space<semaphore_mem>>)
      tpu.wait_dma2 semaphore(%run_scoped3A : memref<!tpu.dma_semaphore, #tpu.memory_space<semaphore_mem>>) src(%arg5 : memref<16xf32, #tpu.memory_space<hbm>>) dst(%arg14 : memref<16xf32, #tpu.memory_space<vmem>>)
      tpu.yield
    }) : () -> ()
    %get3A = arith.constant 0 : index
    %get3A_5 = tpu.vector_load %arg14[%get3A] {strides = array<i32>} : memref<16xf32, #tpu.memory_space<vmem>>, vector<16xf32>,
    %slice3A = vector.extract_strided_slice %get3A_5 {offsets = [0], sizes = [1], strides = [1]} : vector<16xf32> to vector<1xf32>
    %squeeze3A = vector.extract %slice3A[0] : f32 from vector<1xf32>
    %eq3A = arith.constant 1.000000e+00 : f32
    %eq3A_6 = arith.cmpf oeq, %squeeze3A, %eq3A : f32
    %mul3A_7 = arith.constant 11 : i32
    %mul3A_8 = arith.muli %mul3A_7, %arg0 : i32
    %add3A_9 = arith.constant 0 : i32
    %add3A_10 = arith.addi %mul3A_8, %add3A_9 : i32
    %mul3A_11 = arith.constant 4736 : i32
    %mul3A_12 = arith.muli %add3A_10, %mul3A_11 : i32
    %min3A = arith.constant 95264 : i32
    %min3A_13 = arith.minsi %mul3A_12, %min3A : i32
    %mul3A_14 = arith.constant 296 : i32
    %mul3A_15 = arith.muli %arg1, %mul3A_14 : i32
    %add3A_16 = arith.addi %min3A_13, %mul3A_15 : i32
    %multiple_of3A_17 = tpu.assume_multiple %add3A_16, 8 : i32
    %dma_start3A = arith.constant 0 : i32
    %dma_start3A_18 = tpu.memref_slice %arg7[%multiple_of3A, %dma_start3A] : memref<4752x128xf32, #tpu.memory_space<vmem_shared>> -> memref<296x128xf32, #tpu.memory_space<vmem_shared>>
    %dma_start3A_19 = arith.constant 0 : i32
    %dma_start3A_20 = tpu.memref_slice %arg2[%multiple_of3A_17, %dma_start3A_19] : memref<100000x128xf32, #tpu.memory_space<hbm>> -> memref<296x128xf32, #tpu.memory_space<hbm>>
    tpu.enqueue_dma source(%dma_start3A_20 : memref<296x128xf32, #tpu.memory_space<hbm>>) target(%dma_start3A_18 : memref<296x128xf32, #tpu.memory_space<vmem_shared>>) target_semaphore(%arg15 : memref<!tpu.dma_semaphore, #tpu.memory_space<semaphore_mem>>)
    %dma_wait3A = arith.constant 0 : i32
    %dma_wait3A_21 = tpu.memref_slice %arg7[%multiple_of3A, %dma_wait3A] : memref<4752x128xf32, #tpu.memory_space<vmem_shared>> -> memref<296x128xf32, #tpu.memory_space<vmem_shared>>
    %dma_wait3A_22 = arith.constant 0 : i32
    %dma_wait3A_23 = tpu.memref_slice %arg2[%multiple_of3A_17, %dma_wait3A_22] : memref<100000x128xf32, #tpu.memory_space<hbm>> -> memref<296x128xf32, #tpu.memory_space<hbm>>
    tpu.wait_dma2 semaphore(%arg15 : memref<!tpu.dma_semaphore, #tpu.memory_space<semaphore_mem>>) src(%dma_wait3A_23 : memref<296x128xf32, #tpu.memory_space<hbm>>) dst(%dma_wait3A_21 : memref<296x128xf32, #tpu.memory_space<vmem_shared>>)
    return
  }
}

</mosaic_0001>

<sc_bundles>
// kernel: kernel.3.cloned.1.call-start
scs
__scs_entry_jumppad:
0x0: {  	(pc) =	sbr.rel $0x88, $3  }
0x1: {  	(tag) =	ssettag $0x0;
	lr =	simm.s32 $0x1  }
0x2: {  	[smem:$0x3F9D] =	sst lr;
	_ =	strace $0xD0000000  }
0x3: {  	_ = 	snop  }
0x4: {  	_ = 	snop  }
0x5: {  	_ = 	snop  }
0x6: {  	_ = 	snop  }
0x7: {  	_ = 	snop  }
__scs_overlays_trampoline_lowered:
0x8: {  	[smem:$0x3FAC] =	sst s0  }
0x9: {  	[smem:$0x3FAD] =	sst s1  }
0xa: {  	[smem:$0x3FAE] =	sst s2  }
0xb: {  	[smem:$0x3FAF] =	sst s3  }
0xc: {  	[smem:$0x3FB0] =	sst s4  }
0xd: {  	[smem:$0x3FB1] =	sst s5  }
0xe: {  	[smem:$0x3FB2] =	sst s6  }
0xf: {  	[smem:$0x3FB3] =	sst s7  }
0x10: {  	[smem:$0x3FB4] =	sst s8  }
0x11: {  	[smem:$0x3FB5] =	sst s9;
	s0 =	simm.s32 @!p0 $0x0  }
0x12: {  	s1 =	sld [smem:$0x3F9B];
	s0 =	simm.s32 @p0 $0x1  }
0x13: {  	[smem:$0x3FB6] =	sst s0;
	s0 =	simm.s32 @!p1 $0x0  }
0x14: {  	s2 =	sld [smem:$0x3F9A];
	s0 =	simm.s32 @p1 $0x1  }
0x15: {  	[smem:$0x3FB7] =	sst s0;
	s0 =	simm.s32 @!p2 $0x0  }
0x16: {  	s3 =	sld [smem:$0x3FDB];
	s0 =	simm.s32 @p2 $0x1  }
0x17: {  	s4 =	simm.s32 $0x1BF5;
	[smem:$0x3FB9] =	sst s0  }
0x18: {  	s0 =	sld [smem:$0x3F9C];
	_ =	swait.ge [sflag:s4], $0x0  }
0x19: {  	s7 =	sld [smem:$0x3F9D]  }
0x1a: {  	s8 =	sadd.s32 $0xFFFFE003, lr  }
0x1b: {  	s9 =	sadd.s32 $0xFFFFFEF7, lr;
	s5 =	simm.s32 $0xFFFFFFFF;
	p2 =	slt.u32 s8, $0xFFFFF086  }
0x1c: {  	p1 =	slt.u32 s9, $0xF7A;
	s5 =	simm.s32 @!p2 $0x0  }
0x1d: {  	s5 =	simm.s32 @p1 $0x1;
	p0 =	seq.s32 s7, s2  }
0x1e: {  	s7 =	smul.u32 @!p0 $0xF7A, s2;
	p2 =	seq.s32 @!p0 s5, $0x0  }
0x1f: {  	s9 =	smul.u32 $0xF7A, s1;
	s8 =	simm.s32 @!p0 $0x1BF5;
	p2 =	por !p2, p0  }
0x20: {  	[sflag:s8] =	ssyncset.s32 @!p0 $0xFFFFF086;
	s6 =	sadd.s32 @!p0 s3, s7;
	s7 =	simm.s32 @!p0 $0x108  }
0x21: {  	s3 =	sadd.s32 s3, s9;
	s6 =	sadd.s32 @!p0 $0x88, s6;
	s7 =	simm.s32 @p2 $0x1082  }
0x22: {  	[simem:s7], [sflag:s8] =	dma.local @!p0 [hbm:s6], $0xF7A  }
0x23: {  	s9 =	sor.u32 $0xD0000000, s2;
	s6 =	simm.s32 $0x108;
	_ =	swait.ge @!p0 [sflag:s8], $0x0  }
0x24: {  	s3 =	sadd.s32 $0x88, s3;
	s6 =	simm.s32 @!p1 $0x1082;
	[sflag:s4] =	ssyncset.s32 $0xFFFFF086  }
0x25: {  	[simem:s6], [sflag:s4] =	dma.local [hbm:s3], $0xF7A  }
0x26: {  	[smem:$0x3F9D] =	sst s1;
	(tag) =	ssettag s2;
	_ =	strace s9  }
0x27: {  	s1 =	sld [smem:$0x3FAD]  }
0x28: {  	s2 =	sld [smem:$0x3FAE]  }
0x29: {  	s4 =	sld [smem:$0x3FB0]  }
0x2a: {  	p0 =	seq.s32 s5, $0x0;
	s5 =	sld [smem:$0x3FB1]  }
0x2b: {  	s6 =	sld [smem:$0x3FB2]  }
0x2c: {  	s7 =	sld [smem:$0x3FB3]  }
0x2d: {  	s3 =	simm.s32 $0x108;
	s8 =	sld [smem:$0x3FB4]  }
0x2e: {  	s3 =	simm.s32 @!p0 $0x1082;
	s9 =	sld [smem:$0x3FB5]  }
0x2f: {  	lr =	sadd.s32 s0, s3;
	s0 =	sld [smem:$0x3FAC]  }
0x30: {  	s3 =	sld [smem:$0x3FAF]  }
0x31: {  	[smem:$0x3FB8] =	sst s10  }
0x32: {  	s10 =	sld [smem:$0x3FB6];
	_ =	sdelay $0x3  }
0x33: {  	p0 =	seq.s32 s10, $0x1;
	s10 =	sld [smem:$0x3FB8];
	_ =	sdelay $0x3  }
0x34: {  	[smem:$0x3FB8] =	sst s10  }
0x35: {  	s10 =	sld [smem:$0x3FB7];
	_ =	sdelay $0x3  }
0x36: {  	p1 =	seq.s32 s10, $0x1;
	s10 =	sld [smem:$0x3FB8];
	_ =	sdelay $0x3  }
0x37: {  	[smem:$0x3FB8] =	sst s10  }
0x38: {  	s10 =	sld [smem:$0x3FB9]  }
0x39: {  	_ = 	snop;
	(pc) =	sbr.ind lr, $3  }
0x3a: {  	_ = 	snop  }
0x3b: {  	_ = 	snop  }
0x3c: {  	p2 =	seq.s32 s10, $0x1;
	s10 =	sld [smem:$0x3FB8]  }
0x3d: {  	_ =	shalt  }
0x3e: {  	_ =	shalt  }
0x3f: {  	_ =	shalt  }
0x40: {  	_ =	shalt  }
0x41: {  	_ =	shalt  }
0x42: {  	_ =	shalt  }
0x43: {  	_ =	shalt  }
0x44: {  	_ =	shalt  }
0x45: {  	_ =	shalt  }
0x46: {  	_ =	shalt  }
0x47: {  	_ =	shalt  }
0x48: {  	_ =	shalt  }
0x49: {  	_ =	shalt  }
0x4a: {  	_ =	shalt  }
0x4b: {  	_ =	shalt  }
0x4c: {  	_ =	shalt  }
0x4d: {  	_ =	shalt  }
0x4e: {  	_ =	shalt  }
0x4f: {  	_ =	shalt  }
0x50: {  	_ =	shalt  }
0x51: {  	_ =	shalt  }
0x52: {  	_ =	shalt  }
0x53: {  	_ =	shalt  }
0x54: {  	_ =	shalt  }
0x55: {  	_ =	shalt  }
0x56: {  	_ =	shalt  }
0x57: {  	_ =	shalt  }
0x58: {  	_ =	shalt  }
0x59: {  	_ =	shalt  }
0x5a: {  	_ =	shalt  }
0x5b: {  	_ =	shalt  }
0x5c: {  	_ =	shalt  }
0x5d: {  	_ =	shalt  }
0x5e: {  	_ =	shalt  }
0x5f: {  	_ =	shalt  }
0x60: {  	_ =	shalt  }
0x61: {  	_ =	shalt  }
0x62: {  	_ =	shalt  }
0x63: {  	_ =	shalt  }
0x64: {  	_ =	shalt  }
0x65: {  	_ =	shalt  }
0x66: {  	_ =	shalt  }
0x67: {  	_ =	shalt  }
0x68: {  	_ =	shalt  }
0x69: {  	_ =	shalt  }
0x6a: {  	_ =	shalt  }
0x6b: {  	_ =	shalt  }
0x6c: {  	_ =	shalt  }
0x6d: {  	_ =	shalt  }
0x6e: {  	_ =	shalt  }
0x6f: {  	_ =	shalt  }
0x70: {  	_ =	shalt  }
0x71: {  	_ =	shalt  }
0x72: {  	_ =	shalt  }
0x73: {  	_ =	shalt  }
0x74: {  	_ =	shalt  }
0x75: {  	_ =	shalt  }
0x76: {  	_ =	shalt  }
0x77: {  	_ =	shalt  }
0x78: {  	_ =	shalt  }
0x79: {  	_ =	shalt  }
0x7a: {  	_ =	shalt  }
0x7b: {  	_ =	shalt  }
0x7c: {  	_ =	shalt  }
0x7d: {  	_ =	shalt  }
0x7e: {  	_ =	shalt  }
0x7f: {  	_ =	shalt  }
0x80: {  	_ =	shalt  }
0x81: {  	_ =	shalt  }
0x82: {  	_ =	shalt  }
0x83: {  	_ =	shalt  }
0x84: {  	_ =	shalt  }
0x85: {  	_ =	shalt  }
0x86: {  	_ =	shalt  }
0x87: {  	_ =	shalt  }
.Lfunc_end0:
.L_simem_size_0:
called_computation_lowered:
.L_overlay_start_0:
0x88: {  	s2 =	sld [smem:$0x3FD9]  }
0x89: {  	s3 =	sld [smem:$0x3FFE];
	_ =	sdelay $0x1  }
0x8a: {  	s1 =	srdreg.scid  }
0x8b: {  	s0 =	sand.u32 $0x1, s1  }
0x8c: {  	s17 =	sshll.u32 s0, $0xA;
	s2 =	sadd.s32 s3, s2  }
0x8d: {  	s2 =	sadd.s32 s2, s17  }
0x8e: {  	[smem:$0x3FC4] =	sst s2  }
0x8f: {  	_ = 	snop  }
0x90: {  	s2 =	sld [smem:$0x3FC9]  }
0x91: {  	s18 =	sld [smem:$0x3FC8];
	(tm) =	ssettm $0x1  }
0x92: {  	s4 =	sld [smem:$0x3FFB];
	_ =	sdelay $0x3  }
0x93: {  	_ =	strace s4  }
0x94: {  	s4 =	sld [smem:$0x3FFC];
	_ =	sdelay $0x3  }
0x95: {  	_ =	strace s4  }
0x96: {  	s4 =	sld [smem:$0x3FFD];
	_ =	sdelay $0x3  }
0x97: {  	_ =	strace s4  }
0x98: {  	_ =	strace $0x8FFFFFFF  }
0x99: {  	s19 =	sld [smem:$0x3FDB];
	_ =	sdelay $0x1  }
0x9a: {  	s5 =	simm.s32 $_scs_section_size  }
0x9b: {  	s6 =	simm.s32 $_size__tile_overlayer_lowered;
	s7 =	simm.s32 $_tile_overlayer_lowered  }
0x9c: {  	s22 =	simm.s32 $0x1BFF;
	s21 =	sshll.u32 s7, $0x1;
	s4 =	sadd.s32 s5, s19  }
0x9d: {  	s8 =	simm.s32 $0x0;
	s20 =	sshll.u32 s6, $0x1;
	s6 =	sadd.s32 s21, s4  }
0x9e: {  	[timem:s8], [sflag:s22] =	dma.local [hbm:s6], s20  }
0x9f: {  	_ =	swait.ge [sflag:s22], s20  }
0xa0: {  	s5 =	ssub.s32 $0x0, s20;
	[sflag:s22] =	ssyncset.done $0x0  }
0xa1: {  	[sflag:s22] =	ssyncadd.s32 s5;
	_ =	sdelay $0x1  }
0xa2: {  	s23 =	simm.s32 $0x1B8B  }
0xa3: {  	_ =	swait.ge [sflag:s23], $0x1  }
0xa4: {  	[sflag:s23] =	ssyncset.done $0x0  }
0xa5: {  	s25 =	simm.s32 $0x1B8E;
	s24 =	sld [smem:$0x3FFE];
	[sflag:s23] =	ssyncadd.s32 $0xFFFFFFFF  }
0xa6: {  	s26 =	simm.s32 $execute0_lowered;
	[smem:$0x3FD2] =	sst s25  }
0xa7: {  	s6 =	sshll.u32 s26, $0x1;
	_ =	strace $0x80000046;
	[dreg:$0x1] =	wrdreg $0xFFFFFFFF  }
0xa8: {  	s28 =	simm.s32 $_size_execute0_lowered;
	s4 =	sadd.s32 s4, s6;
	[dreg:$0x0] =	wrdreg $0x0  }
0xa9: {  	s6 =	sshll.u32 s28, $0x1;
	[dreg:$0x2] =	wrdreg s4  }
0xaa: {  	[dreg:$0x3] =	wrdreg s6  }
0xab: {  	[dreg:$0x4] =	wrdreg $0xC0  }
0xac: {  	_ =	task [dreg:s8], $0x5FFFF  }
0xad: {  	[dreg:$0x1] =	wrdreg $0xFFFFFFFF  }
0xae: {  	[dreg:$0x0] =	wrdreg $0x60  }
0xaf: {  	[dreg:$0x2] =	wrdreg s2  }
0xb0: {  	[dreg:$0x3] =	wrdreg s18  }
0xb1: {  	[dreg:$0x4] =	wrdreg s24  }
0xb2: {  	[dreg:$0x5] =	wrdreg $0x0  }
0xb3: {  	[dreg:$0x6] =	wrdreg $0x9  }
0xb4: {  	_ =	task.clear_ibuf [dreg:s8], $0x7FFFF;
	_ =	strace $0x90000046  }
0xb5: {  	s29 =	simm.s32 $0x9;
	_ =	strace $0x80000048  }
0xb6: {  	_ =	swait.ge [sflag:s29], $0x1  }
0xb7: {  	[sflag:s29] =	ssyncadd.s32 $0xFFFFFFFF  }
0xb8: {  	_ =	strace $0x90000048  }
0xb9: {  	_ =	sfence  }
0xba: {  	s30 =	sld [smem:$0x0];
	_ =	sdelay $0x2  }
0xbb: {  	s31 =	sshll.u32 s1, $0xD;
	s1 =	sshrl.u32 s1, $0x2  }
0xbc: {  	s3 =	sand.u32 $0x4000, s31;
	s1 =	sadd.s32 s1, s30  }
0xbd: {  	s0 =	sor.u32 s3, s0;
	s1 =	sshll.u32 s1, $0x11  }
0xbe: {  	s0 =	sor.u32 s1, s0  }
0xbf: {  	s0 =	sadd.s32 $0x8F2B, s0  }
0xc0: {  	[sflag:s0] =	ssyncadd.remote.s32 $0x1  }
0xc1: {  	_ =	sfence.sel $0xFFFF  }
0xc2: {  	[dreg:$0x0] =	wrdreg $0xFFFFFFFF;
	(pc) =	sbr.abs _section_cstart, $3  }
0xc3: {  	[dreg:$0x1] =	wrdreg $0xFFFFFFFF  }
0xc4: {  	_ =	task.clear_ibuf [dreg:s8], $0x2FFFF;
	_ =	strace $0x9FFFFFFF  }
0xc5: {  	(tm) =	ssettm $0x7FFFFFFF  }
tec
execute0_lowered:
.L_overlay_start_1:
0x0: {  	(tag) =	ssettag $0x1  }
0x1: {  	s8 =	rddreg [dreg:$0x0]  }
0x2: {  	s3 =	rddreg [dreg:$0x1]  }
0x3: {  	s6 =	rddreg [dreg:$0x2]  }
0x4: {  	s7 =	rddreg [dreg:$0x3]  }
0x5: {  	s1 =	srdreg.scid;
	s0 =	rddreg [dreg:$0x4];
	s2 =	simm.s32 $0x0  }
0x6: {  	s4 =	sand.u32 $0x1, s1;
	[smem:$0x7FF] =	sst s2;
	s1 =	stileid.u32  }
0x7: {  	s6 =	sadd.s32 $0x400, s6;
	s5 =	ssub.s32 $0x2, s4;
	s29 =	smul.u32 $0x25000, s1  }
0x8: {  	_ =	strace $0x80000047;
	s10 =	sshll.u32 s1, $0x7;
	s11 =	smul.u32 $0xCB800, s4  }
0x9: {  	s4 =	simm.s32 $0x9480;
	s12 =	smul.u32 $0x1280, s1;
	s9 =	sshrl.u32 s5, $0x1  }
0xa: {  	s3 =	sadd.s32 s3, s10;
	s9 =	ssub.s32 s5, s9;
	s5 =	simm.s32 $0x2  }
0xb: {  	[tilespmem:s4], [sflag:$0x2] =	stream.linear.gather [hbm4b:s3+s2], $0x400, $0x38;
	[tilespmem:$0x9900] =	vst v63  }
0xc: {  	s30 =	sshll.u32 s1, $0x6;
	s10 =	sshrl.u32 s29, $0x2;
	_ =	swait.ge [sflag:s5], $0x400  }
0xd: {  	s11 =	sadd.s32 s12, s11;
	s10 =	sadd.s32 s10, s7;
	[sflag:s5] =	ssyncset.done $0x0  }
0xe: {  	s7 =	simm.s32 $0x9880;
	s31 =	smax.u32 s9, $0x1;
	[sflag:s5] =	ssyncadd.s32 $0xFFFFFC00  }
0xf: {  	[tilespmem:s7], [sflag:$0x2] =	stream.linear.gather [hbm4b:s6+s2], $0x80, $0x38;
	[tilespmem:$0x9900] =	vst v63  }
0x10: {  	s8 =	sadd.s32 s8, s11;
	p0 =	sne.s32 s31, $0x1;
	_ =	swait.ge [sflag:s5], $0x80  }
.Ltmp0:
0x11: {  	s9 =	sor.u32 $0x1C01, s30;
	[sflag:s5] =	ssyncset.done $0x0;
	(pc) =	sbr.rel @!p0 .LBB2_2-.Ltmp0, $4  }
0x12: {  	s11 =	sshrl.u32 s10, $0x3;
	s10 =	simm.s32 $0x1;
	[sflag:s5] =	ssyncadd.s32 $0xFFFFFF80  }
0x13: {  	[spmem:s11], [sflag:s9] =	dma.local [hbm:s8], $0x1280  }
0x14: {  	_ =	swait.ge [sflag:s10], $0x1280  }
0x15: {  	s12 =	sadd.s32 $0xFFFFFFFF, s31;
	[sflag:s10] =	ssyncset.done $0x0  }
.LBB2_1:
0x16: {  	p0 =	sne.s32 s12, $0x1;
	s12 =	sadd.s32 $0xFFFFFFFF, s12;
	[sflag:s10] =	ssyncadd.s32 $0xFFFFED80  }
0x17: {  	[tilespmem:s4], [sflag:$0x2] =	stream.linear.gather [hbm4b:s3+s2], $0x400, $0x38;
	[tilespmem:$0x9900] =	vst v63  }
0x18: {  	_ =	swait.ge [sflag:s5], $0x400  }
0x19: {  	[sflag:s5] =	ssyncset.done $0x0  }
0x1a: {  	[sflag:s5] =	ssyncadd.s32 $0xFFFFFC00  }
0x1b: {  	[tilespmem:s7], [sflag:$0x2] =	stream.linear.gather [hbm4b:s6+s2], $0x80, $0x38;
	[tilespmem:$0x9900] =	vst v63  }
0x1c: {  	_ =	swait.ge [sflag:s5], $0x80  }
.Ltmp1:
0x1d: {  	[sflag:s5] =	ssyncset.done $0x0;
	(pc) =	sbr.rel @p0 .LBB2_1-.Ltmp1, $4  }
0x1e: {  	[sflag:s5] =	ssyncadd.s32 $0xFFFFFF80  }
0x1f: {  	[spmem:s11], [sflag:s9] =	dma.local [hbm:s8], $0x1280  }
0x20: {  	_ =	swait.ge [sflag:s10], $0x1280  }
0x21: {  	[sflag:s10] =	ssyncset.done $0x0  }
.LBB2_2:
0x22: {  	[sflag:s10] =	ssyncadd.s32 $0xFFFFED80  }
0x23: {  	_ =	sfence.sel $0x180000  }
0x24: {  	[bflag:$0x0] =	sbarrier.arrive $0xFFFF  }
0x25: {  	p0 =	sne.s32 s1, $0x0;
	_ =	strace $0x90000047  }
0x26: {  	s0 =	sadd.s32 @!p0 $0x100000, s0;
	[bflag:$0x2] =	sbarrier.arrive $0xFFFF  }
0x27: {  	[sflag:s0] =	ssyncadd.tile.s32 @!p0 $0x1;
	_ =	shalt  }
.Lfunc_end2:
_tile_overlayer_lowered:
.L_overlay_start_2:
0x28: {  	(tag) =	ssettag $0x2  }
0x29: {  	s0 =	rddreg [dreg:$0x0];
	s2 =	stileid.u32  }
0x2a: {  	s1 =	rddreg [dreg:$0x1];
	p0 =	sne.s32 s2, $0x0  }
0x2b: {  	s3 =	rddreg [dreg:$0x2];
	[bflag:$0x3] =	sbarrier.arrive $0xFFFF;
	s2 =	simm.s32 @!p0 $0x1C02  }
0x2c: {  	[timem:s3], [sflag:s2] =	dma.local @!p0 [hbm:s0], s1  }
0x2d: {  	s0 =	simm.s32 @!p0 $0x2  }
0x2e: {  	_ =	swait.ge @!p0 [sflag:s0], s1  }
0x2f: {  	s1 =	ssub.s32 @!p0 $0x0, s1;
	[sflag:s0] =	ssyncset.done @!p0 $0x0  }
0x30: {  	[sflag:s0] =	ssyncadd.s32 @!p0 s1  }
0x31: {  	[bflag:$0x3] =	sbarrier.arrive $0xFFFF  }
0x32: {  	_ =	shalt  }

</sc_bundles>
